<compile_context>
chip_gen: v7x
topology: tpu7x:2x2x1
jax: 0.10.2.dev20260603
libtpu: 0.0.44.dev20260713+nightly
codegen_flags: <defaults>
</compile_context>

<pallas_src>
import functools

import jax
import jax.numpy as jnp
from jax import lax
from jax.experimental import pallas as pl
from jax.experimental.pallas import tpu as pltpu
from jax.experimental.pallas import tpu_sc as plsc

BATCH = 4096
SEQ = 200
EMBED_DIM = 64
HIDDEN = 256
NUM_CLASSES = 50

_NC = 2
_NS = 16
_NW = _NC * _NS
_BPW = BATCH // _NW
_IPW = _BPW * SEQ
_G0, _G1 = 104, 96


def _pool_sc(x_flat, emb):
    mesh = plsc.VectorSubcoreMesh(core_axis_name="c", subcore_axis_name="s")

    @functools.partial(
        pl.kernel,
        mesh=mesh,
        compiler_params=pltpu.CompilerParams(use_tc_tiling_on_sc=False),
        out_type=jax.ShapeDtypeStruct((BATCH, EMBED_DIM), jnp.float32),
        scratch_types=[
            pltpu.VMEM((_IPW,), jnp.int32),
            pltpu.VMEM((SEQ, EMBED_DIM), jnp.float32),
            pltpu.VMEM((_BPW, EMBED_DIM), jnp.float32),
            pltpu.SemaphoreType.DMA,
        ],
    )
    def pool(x_hbm, emb_hbm, out_hbm, idx_v, rows_v, out_v, sem):
        wid = lax.axis_index("s") * _NC + lax.axis_index("c")
        ibase = pl.multiple_of(wid * _IPW, 8)
        pltpu.sync_copy(x_hbm.at[pl.ds(ibase, _IPW)], idx_v)

        def elem(i, _):
            off = pl.multiple_of(i * SEQ, 8)
            cp0 = pltpu.async_copy(
                emb_hbm.at[idx_v.at[pl.ds(off, _G0)]],
                rows_v.at[pl.ds(0, _G0)], sem)
            cp1 = pltpu.async_copy(
                emb_hbm.at[idx_v.at[pl.ds(off + _G0, _G1)]],
                rows_v.at[pl.ds(_G0, _G1)], sem)
            cp0.wait()
            cp1.wait()

            def accum(s, accs):
                return tuple(
                    accs[j] + rows_v[s, pl.ds(j * 16, 16)] for j in range(4))

            accs = lax.fori_loop(
                0, SEQ, accum,
                tuple(jnp.zeros((16,), jnp.float32) for _ in range(4)))
            scale = jnp.float32(1.0 / SEQ)
            for j in range(4):
                out_v[i, pl.ds(j * 16, 16)] = accs[j] * scale
            return 0

        lax.fori_loop(0, _BPW, elem, 0)
        pltpu.sync_copy(out_v, out_hbm.at[pl.ds(wid * _BPW, _BPW)])

    return pool(x_flat, emb)


def _mlp_body(p_ref, w1_ref, b1_ref, w2_ref, b2_ref, o_ref):
    h = jnp.dot(p_ref[...], w1_ref[...], preferred_element_type=jnp.float32)
    h = jnp.maximum(h + b1_ref[...], 0.0)
    o_ref[...] = (
        jnp.dot(h, w2_ref[...], preferred_element_type=jnp.float32)
        + b2_ref[...])


def _mlp_tc(pooled, W1, b1, W2, b2):
    bb = 512
    grid = (BATCH // bb,)
    return pl.pallas_call(
        _mlp_body,
        grid=grid,
        in_specs=[
            pl.BlockSpec((bb, EMBED_DIM), lambda i: (i, 0)),
            pl.BlockSpec((EMBED_DIM, HIDDEN), lambda i: (0, 0)),
            pl.BlockSpec((1, HIDDEN), lambda i: (0, 0)),
            pl.BlockSpec((HIDDEN, NUM_CLASSES), lambda i: (0, 0)),
            pl.BlockSpec((1, NUM_CLASSES), lambda i: (0, 0)),
        ],
        out_specs=pl.BlockSpec((bb, NUM_CLASSES), lambda i: (i, 0)),
        out_shape=jax.ShapeDtypeStruct((BATCH, NUM_CLASSES), jnp.float32),
    )(pooled, W1, b1, W2, b2)


def kernel(x, emb, W1, b1, W2, b2):
    pooled = _pool_sc(x.reshape(-1), emb)
    return _mlp_tc(pooled, W1, b1.reshape(1, HIDDEN), W2,
                   b2.reshape(1, NUM_CLASSES))

# --- scband reference (transcript-rebuilt; emitter-appended) ---
"""Pipeline reference for scband-fast-text-model-8899172237485 (READ-ONLY COPY).

The authoritative reference and input builder live on the scoring server;
editing this copy changes nothing except your own understanding.
"""

import jax, jax.numpy as jnp
import numpy as np

VOCAB = 1000000
EMBED_DIM = 64
HIDDEN = 256
NUM_CLASSES = 50
BATCH = 4096
SEQ = 200


def setup_inputs(seed: int = 0) -> dict:
    key = jax.random.key(seed)
    k_idx, k_emb, k_w1, k_b1, k_w2, k_b2 = jax.random.split(key, 6)
    x = jax.random.randint(k_idx, (BATCH, SEQ), 0, VOCAB, dtype=jnp.int64 if jax.config.jax_enable_x64 else jnp.int32)
    emb = jax.random.normal(k_emb, (VOCAB, EMBED_DIM), dtype=jnp.float32) * 0.02
    W1 = jax.random.normal(k_w1, (EMBED_DIM, HIDDEN), dtype=jnp.float32) * (1.0 / np.sqrt(EMBED_DIM))
    b1 = jnp.zeros((HIDDEN,), dtype=jnp.float32)
    W2 = jax.random.normal(k_w2, (HIDDEN, NUM_CLASSES), dtype=jnp.float32) * (1.0 / np.sqrt(HIDDEN))
    b2 = jnp.zeros((NUM_CLASSES,), dtype=jnp.float32)
    return {"x": x, "emb": emb, "W1": W1, "b1": b1, "W2": W2, "b2": b2}


def reference(x, emb, W1, b1, W2, b2):
    # embedding lookup: [B, S, D]
    embedded = jnp.take(emb, x, axis=0)
    # mean pool over sequence dim
    pooled = jnp.mean(embedded, axis=1)
    # MLP head (dropout is identity at inference)
    h = jnp.maximum(pooled @ W1 + b1, 0.0)
    out = h @ W2 + b2
    return out

if __name__ == "__main__":
    import jax
    _d = setup_inputs()
    print(jax.jit(kernel)(*tuple(_d.values())))

</pallas_src>

<mosaic_0001>
#map = affine_map<(d0, d1) -> (0)>
#map1 = affine_map<(d0, d1) -> (0, 0)>
module attributes {stable_mosaic.version = 14 : i64} {
  func.func @pool(%arg0: i32, %arg1: i32, %arg2: memref<819200xi32, #tpu.memory_space<hbm>>, %arg3: memref<1000000x64xf32, #tpu.memory_space<hbm>>, %arg4: memref<4096x64xf32, #tpu.memory_space<hbm>>, %arg5: memref<25600xi32, #tpu.memory_space<vmem>>, %arg6: memref<200x64xf32, #tpu.memory_space<vmem>>, %arg7: memref<128x64xf32, #tpu.memory_space<vmem>>, %arg8: memref<!tpu.dma_semaphore, #tpu.memory_space<semaphore_mem>>) attributes {dimension_semantics = [#tpu.dimension_semantics<core_parallel>, #tpu.dimension_semantics<subcore_parallel>], iteration_bounds = array<i64: 2, 16>, scalar_prefetch = 0 : i64, scratch_operands = 4 : i64, tpu.core_type = #tpu.core_type<sc_vector_subcore>, window_params = [{transform_indices = #map}, {transform_indices = #map1}, {transform_indices = #map1}]} {
    %mul3A = arith.constant 2 : i32
    %mul3A_0 = arith.muli %arg1, %mul3A : i32
    %add3A = arith.addi %mul3A_0, %arg0 : i32
    %mul3A_1 = arith.constant 25600 : i32
    %mul3A_2 = arith.muli %add3A, %mul3A_1 : i32
    %multiple_of3A = tpu.assume_multiple %mul3A_2, 8 : i32
    "tpu.region"() ({
      %run_scoped3A = tpu.sem_alloc : memref<!tpu.dma_semaphore, #tpu.memory_space<semaphore_mem>>
      %dma_start3A = tpu.memref_slice %arg2[%multiple_of3A] : memref<819200xi32, #tpu.memory_space<hbm>> -> memref<25600xi32, #tpu.memory_space<hbm>>
      %dma_start3A_11 = tpu.memref_slice %arg2[%multiple_of3A] : memref<819200xi32, #tpu.memory_space<hbm>> -> memref<25600xi32, #tpu.memory_space<hbm>>
      tpu.enqueue_dma source(%dma_start3A_11 : memref<25600xi32, #tpu.memory_space<hbm>>) target(%arg5 : memref<25600xi32, #tpu.memory_space<vmem>>) target_semaphore(%run_scoped3A : memref<!tpu.dma_semaphore, #tpu.memory_space<semaphore_mem>>)
      %dma_wait3A = tpu.memref_slice %arg2[%multiple_of3A] : memref<819200xi32, #tpu.memory_space<hbm>> -> memref<25600xi32, #tpu.memory_space<hbm>>
      %dma_wait3A_12 = tpu.memref_slice %arg2[%multiple_of3A] : memref<819200xi32, #tpu.memory_space<hbm>> -> memref<25600xi32, #tpu.memory_space<hbm>>
      tpu.wait_dma2 semaphore(%run_scoped3A : memref<!tpu.dma_semaphore, #tpu.memory_space<semaphore_mem>>) src(%dma_wait3A_12 : memref<25600xi32, #tpu.memory_space<hbm>>) dst(%arg5 : memref<25600xi32, #tpu.memory_space<vmem>>)
      tpu.yield
    }) : () -> ()
    %scan3A = arith.constant 0 : i32
    %scan3A_3 = arith.constant 0 : i32
    %scan3A_4 = arith.constant 128 : i32
    %scan3A_5 = arith.addi %scan3A_3, %scan3A_4 : i32
    %scan3A_6 = arith.constant 1 : i32
    %scan3A_7 = scf.for %scan3A_11 = %scan3A_3 to %scan3A_5 step %scan3A_6 iter_args(%scan3A_12 = %scan3A) -> (i32)  : i32 {
      %mul3A_13 = arith.constant 200 : i32
      %mul3A_14 = arith.muli %scan3A_11, %mul3A_13 : i32
      %multiple_of3A_15 = tpu.assume_multiple %mul3A_14, 8 : i32
      %dma_start3A = arith.constant 0 : i32
      %dma_start3A_16 = arith.constant 0 : i32
      %dma_start3A_17 = tpu.memref_slice %arg6[%dma_start3A, %dma_start3A_16] : memref<200x64xf32, #tpu.memory_space<vmem>> -> memref<104x64xf32, #tpu.memory_space<vmem>>
      %dma_start3A_18 = tpu.memref_slice %arg5[%multiple_of3A_15] : memref<25600xi32, #tpu.memory_space<vmem>> -> memref<104xi32, #tpu.memory_space<vmem>>
      %dma_start3A_19 = arith.constant 0 : i32
      %dma_start3A_20 = arith.constant 0 : i32
      %dma_start3A_21 = tpu.memref_slice %arg3[%dma_start3A_19, %dma_start3A_20] : memref<1000000x64xf32, #tpu.memory_space<hbm>> -> memref<1000000x64xf32, #tpu.memory_space<hbm>>
      tpu.enqueue_indirect_dma source(%dma_start3A_21 : memref<1000000x64xf32, #tpu.memory_space<hbm>>) target(%dma_start3A_17 : memref<104x64xf32, #tpu.memory_space<vmem>>) offsets(%dma_start3A_18 : memref<104xi32, #tpu.memory_space<vmem>>) semaphore(%arg8 : memref<!tpu.dma_semaphore, #tpu.memory_space<semaphore_mem>>)
      %add3A_22 = arith.constant 104 : i32
      %add3A_23 = arith.addi %multiple_of3A_15, %add3A_22 : i32
      %dma_start3A_24 = arith.constant 104 : i32
      %dma_start3A_25 = arith.constant 0 : i32
      %dma_start3A_26 = tpu.memref_slice %arg6[%dma_start3A_24, %dma_start3A_25] : memref<200x64xf32, #tpu.memory_space<vmem>> -> memref<96x64xf32, #tpu.memory_space<vmem>>
      %dma_start3A_27 = tpu.memref_slice %arg5[%add3A_23] : memref<25600xi32, #tpu.memory_space<vmem>> -> memref<96xi32, #tpu.memory_space<vmem>>
      %dma_start3A_28 = arith.constant 0 : i32
      %dma_start3A_29 = arith.constant 0 : i32
      %dma_start3A_30 = tpu.memref_slice %arg3[%dma_start3A_28, %dma_start3A_29] : memref<1000000x64xf32, #tpu.memory_space<hbm>> -> memref<1000000x64xf32, #tpu.memory_space<hbm>>
      tpu.enqueue_indirect_dma source(%dma_start3A_30 : memref<1000000x64xf32, #tpu.memory_space<hbm>>) target(%dma_start3A_26 : memref<96x64xf32, #tpu.memory_space<vmem>>) offsets(%dma_start3A_27 : memref<96xi32, #tpu.memory_space<vmem>>) semaphore(%arg8 : memref<!tpu.dma_semaphore, #tpu.memory_space<semaphore_mem>>)
      %dma_wait3A = arith.constant 0 : i32
      %dma_wait3A_31 = arith.constant 0 : i32
      %dma_wait3A_32 = tpu.memref_slice %arg6[%dma_wait3A, %dma_wait3A_31] : memref<200x64xf32, #tpu.memory_space<vmem>> -> memref<104x64xf32, #tpu.memory_space<vmem>>
      %dma_wait3A_33 = tpu.memref_slice %arg5[%multiple_of3A_15] : memref<25600xi32, #tpu.memory_space<vmem>> -> memref<104xi32, #tpu.memory_space<vmem>>
      %dma_wait3A_34 = arith.constant 0 : i32
      %dma_wait3A_35 = arith.constant 0 : i32
      %dma_wait3A_36 = tpu.memref_slice %arg3[%dma_wait3A_34, %dma_wait3A_35] : memref<1000000x64xf32, #tpu.memory_space<hbm>> -> memref<1000000x64xf32, #tpu.memory_space<hbm>>
      tpu.wait_indirect_dma semaphore(%arg8 : memref<!tpu.dma_semaphore, #tpu.memory_space<semaphore_mem>>) src(%dma_wait3A_36 : memref<1000000x64xf32, #tpu.memory_space<hbm>>) dst(%dma_wait3A_32 : memref<104x64xf32, #tpu.memory_space<vmem>>)
      %dma_wait3A_37 = arith.constant 104 : i32
      %dma_wait3A_38 = arith.constant 0 : i32
      %dma_wait3A_39 = tpu.memref_slice %arg6[%dma_wait3A_37, %dma_wait3A_38] : memref<200x64xf32, #tpu.memory_space<vmem>> -> memref<96x64xf32, #tpu.memory_space<vmem>>
      %dma_wait3A_40 = tpu.memref_slice %arg5[%add3A_23] : memref<25600xi32, #tpu.memory_space<vmem>> -> memref<96xi32, #tpu.memory_space<vmem>>
      %dma_wait3A_41 = arith.constant 0 : i32
      %dma_wait3A_42 = arith.constant 0 : i32
      %dma_wait3A_43 = tpu.memref_slice %arg3[%dma_wait3A_41, %dma_wait3A_42] : memref<1000000x64xf32, #tpu.memory_space<hbm>> -> memref<1000000x64xf32, #tpu.memory_space<hbm>>
      tpu.wait_indirect_dma semaphore(%arg8 : memref<!tpu.dma_semaphore, #tpu.memory_space<semaphore_mem>>) src(%dma_wait3A_43 : memref<1000000x64xf32, #tpu.memory_space<hbm>>) dst(%dma_wait3A_39 : memref<96x64xf32, #tpu.memory_space<vmem>>)
      %broadcast_in_dim3A = arith.constant 0.000000e+00 : f32
      %broadcast_in_dim3A_44 = vector.broadcast %broadcast_in_dim3A : f32 to vector<16xf32>
      %broadcast_in_dim3A_45 = arith.constant 0.000000e+00 : f32
      %broadcast_in_dim3A_46 = vector.broadcast %broadcast_in_dim3A_45 : f32 to vector<16xf32>
      %broadcast_in_dim3A_47 = arith.constant 0.000000e+00 : f32
      %broadcast_in_dim3A_48 = vector.broadcast %broadcast_in_dim3A_47 : f32 to vector<16xf32>
      %broadcast_in_dim3A_49 = arith.constant 0.000000e+00 : f32
      %broadcast_in_dim3A_50 = vector.broadcast %broadcast_in_dim3A_49 : f32 to vector<16xf32>
      %scan3A_51 = arith.constant 0 : i32
      %scan3A_52 = arith.constant 200 : i32
      %scan3A_53 = arith.addi %scan3A_51, %scan3A_52 : i32
      %scan3A_54 = arith.constant 1 : i32
      %scan3A_55:4 = scf.for %scan3A_89 = %scan3A_51 to %scan3A_53 step %scan3A_54 iter_args(%scan3A_90 = %broadcast_in_dim3A_44, %scan3A_91 = %broadcast_in_dim3A_46, %scan3A_92 = %broadcast_in_dim3A_48, %scan3A_93 = %broadcast_in_dim3A_50) -> (vector<16xf32>, vector<16xf32>, vector<16xf32>, vector<16xf32>)  : i32 {
        %get3A = arith.index_cast %scan3A_89 : i32 to index
        %get3A_94 = arith.constant 0 : index
        %get3A_95 = tpu.vector_load %arg6[%get3A, %get3A_94] {strides = array<i32>} : memref<200x64xf32, #tpu.memory_space<vmem>>, vector<1x16xf32>,
        %get3A_96 = vector.shape_cast %get3A_95 : vector<1x16xf32> to vector<16xf32>
        %add3A_97 = arith.addf %scan3A_90, %get3A_96 : vector<16xf32>
        %get3A_98 = arith.index_cast %scan3A_89 : i32 to index
        %get3A_99 = arith.constant 16 : index
        %get3A_100 = tpu.vector_load %arg6[%get3A_98, %get3A_99] {strides = array<i32>} : memref<200x64xf32, #tpu.memory_space<vmem>>, vector<1x16xf32>,
        %get3A_101 = vector.shape_cast %get3A_100 : vector<1x16xf32> to vector<16xf32>
        %add3A_102 = arith.addf %scan3A_91, %get3A_101 : vector<16xf32>
        %get3A_103 = arith.index_cast %scan3A_89 : i32 to index
        %get3A_104 = arith.constant 32 : index
        %get3A_105 = tpu.vector_load %arg6[%get3A_103, %get3A_104] {strides = array<i32>} : memref<200x64xf32, #tpu.memory_space<vmem>>, vector<1x16xf32>,
        %get3A_106 = vector.shape_cast %get3A_105 : vector<1x16xf32> to vector<16xf32>
        %add3A_107 = arith.addf %scan3A_92, %get3A_106 : vector<16xf32>
        %get3A_108 = arith.index_cast %scan3A_89 : i32 to index
        %get3A_109 = arith.constant 48 : index
        %get3A_110 = tpu.vector_load %arg6[%get3A_108, %get3A_109] {strides = array<i32>} : memref<200x64xf32, #tpu.memory_space<vmem>>, vector<1x16xf32>,
        %get3A_111 = vector.shape_cast %get3A_110 : vector<1x16xf32> to vector<16xf32>
        %add3A_112 = arith.addf %scan3A_93, %get3A_111 : vector<16xf32>
        scf.yield %add3A_97, %add3A_102, %add3A_107, %add3A_112 : vector<16xf32>, vector<16xf32>, vector<16xf32>, vector<16xf32>
      }
      %scan3A_56 = arith.constant 200 : i32
      %mul3A_57 = arith.constant 5.000000e-03 : f32
      %mul3A_58 = vector.broadcast %mul3A_57 : f32 to vector<16xf32>
      %mul3A_59 = arith.mulf %scan3A_55#0, %mul3A_58 : vector<16xf32>
      %swap3A = arith.index_cast %scan3A_11 : i32 to index
      %swap3A_60 = arith.constant 0 : index
      %swap3A_61 = tpu.vector_load %arg7[%swap3A, %swap3A_60] {strides = array<i32>} : memref<128x64xf32, #tpu.memory_space<vmem>>, vector<1x16xf32>,
      %swap3A_62 = vector.shape_cast %swap3A_61 : vector<1x16xf32> to vector<16xf32>
      %swap3A_63 = vector.shape_cast %mul3A_59 : vector<16xf32> to vector<1x16xf32>
      tpu.vector_store %arg7[%swap3A, %swap3A_60], %swap3A_63 {strides = array<i32>} : memref<128x64xf32, #tpu.memory_space<vmem>>, vector<1x16xf32>,
      %mul3A_64 = arith.constant 5.000000e-03 : f32
      %mul3A_65 = vector.broadcast %mul3A_64 : f32 to vector<16xf32>
      %mul3A_66 = arith.mulf %scan3A_55#1, %mul3A_65 : vector<16xf32>
      %swap3A_67 = arith.index_cast %scan3A_11 : i32 to index
      %swap3A_68 = arith.constant 16 : index
      %swap3A_69 = tpu.vector_load %arg7[%swap3A_67, %swap3A_68] {strides = array<i32>} : memref<128x64xf32, #tpu.memory_space<vmem>>, vector<1x16xf32>,
      %swap3A_70 = vector.shape_cast %swap3A_69 : vector<1x16xf32> to vector<16xf32>
      %swap3A_71 = vector.shape_cast %mul3A_66 : vector<16xf32> to vector<1x16xf32>
      tpu.vector_store %arg7[%swap3A_67, %swap3A_68], %swap3A_71 {strides = array<i32>} : memref<128x64xf32, #tpu.memory_space<vmem>>, vector<1x16xf32>,
      %mul3A_72 = arith.constant 5.000000e-03 : f32
      %mul3A_73 = vector.broadcast %mul3A_72 : f32 to vector<16xf32>
      %mul3A_74 = arith.mulf %scan3A_55#2, %mul3A_73 : vector<16xf32>
      %swap3A_75 = arith.index_cast %scan3A_11 : i32 to index
      %swap3A_76 = arith.constant 32 : index
      %swap3A_77 = tpu.vector_load %arg7[%swap3A_75, %swap3A_76] {strides = array<i32>} : memref<128x64xf32, #tpu.memory_space<vmem>>, vector<1x16xf32>,
      %swap3A_78 = vector.shape_cast %swap3A_77 : vector<1x16xf32> to vector<16xf32>
      %swap3A_79 = vector.shape_cast %mul3A_74 : vector<16xf32> to vector<1x16xf32>
      tpu.vector_store %arg7[%swap3A_75, %swap3A_76], %swap3A_79 {strides = array<i32>} : memref<128x64xf32, #tpu.memory_space<vmem>>, vector<1x16xf32>,
      %mul3A_80 = arith.constant 5.000000e-03 : f32
      %mul3A_81 = vector.broadcast %mul3A_80 : f32 to vector<16xf32>
      %mul3A_82 = arith.mulf %scan3A_55#3, %mul3A_81 : vector<16xf32>
      %swap3A_83 = arith.index_cast %scan3A_11 : i32 to index
      %swap3A_84 = arith.constant 48 : index
      %swap3A_85 = tpu.vector_load %arg7[%swap3A_83, %swap3A_84] {strides = array<i32>} : memref<128x64xf32, #tpu.memory_space<vmem>>, vector<1x16xf32>,
      %swap3A_86 = vector.shape_cast %swap3A_85 : vector<1x16xf32> to vector<16xf32>
      %swap3A_87 = vector.shape_cast %mul3A_82 : vector<16xf32> to vector<1x16xf32>
      tpu.vector_store %arg7[%swap3A_83, %swap3A_84], %swap3A_87 {strides = array<i32>} : memref<128x64xf32, #tpu.memory_space<vmem>>, vector<1x16xf32>,
      %scan3A_88 = arith.constant 0 : i32
      scf.yield %scan3A_88 : i32
    }
    %scan3A_8 = arith.constant 128 : i32
    %mul3A_9 = arith.constant 128 : i32
    %mul3A_10 = arith.muli %add3A, %mul3A_9 : i32
    "tpu.region"() ({
      %run_scoped3A = tpu.sem_alloc : memref<!tpu.dma_semaphore, #tpu.memory_space<semaphore_mem>>
      %dma_start3A = arith.constant 0 : i32
      %dma_start3A_11 = tpu.memref_slice %arg4[%mul3A_10, %dma_start3A] : memref<4096x64xf32, #tpu.memory_space<hbm>> -> memref<128x64xf32, #tpu.memory_space<hbm>>
      %dma_start3A_12 = arith.constant 0 : i32
      %dma_start3A_13 = tpu.memref_slice %arg4[%mul3A_10, %dma_start3A_12] : memref<4096x64xf32, #tpu.memory_space<hbm>> -> memref<128x64xf32, #tpu.memory_space<hbm>>
      tpu.enqueue_dma source(%arg7 : memref<128x64xf32, #tpu.memory_space<vmem>>) target(%dma_start3A_13 : memref<128x64xf32, #tpu.memory_space<hbm>>) target_semaphore(%run_scoped3A : memref<!tpu.dma_semaphore, #tpu.memory_space<semaphore_mem>>)
      %dma_wait3A = arith.constant 0 : i32
      %dma_wait3A_14 = tpu.memref_slice %arg4[%mul3A_10, %dma_wait3A] : memref<4096x64xf32, #tpu.memory_space<hbm>> -> memref<128x64xf32, #tpu.memory_space<hbm>>
      %dma_wait3A_15 = arith.constant 0 : i32
      %dma_wait3A_16 = tpu.memref_slice %arg4[%mul3A_10, %dma_wait3A_15] : memref<4096x64xf32, #tpu.memory_space<hbm>> -> memref<128x64xf32, #tpu.memory_space<hbm>>
      tpu.wait_dma2 semaphore(%run_scoped3A : memref<!tpu.dma_semaphore, #tpu.memory_space<semaphore_mem>>) src(%arg7 : memref<128x64xf32, #tpu.memory_space<vmem>>) dst(%dma_wait3A_16 : memref<128x64xf32, #tpu.memory_space<hbm>>)
      tpu.yield
    }) : () -> ()
    return
  }
}

module attributes {stable_mosaic.version = 14 : i64} {
  func.func @_mlp_body(%arg0: i32, %arg1: memref<512x64xf32, #tpu.memory_space<vmem>>, %arg2: memref<64x256xf32, #tpu.memory_space<vmem>>, %arg3: memref<1x256xf32, #tpu.memory_space<vmem>>, %arg4: memref<256x50xf32, #tpu.memory_space<vmem>>, %arg5: memref<1x50xf32, #tpu.memory_space<vmem>>, %arg6: memref<512x50xf32, #tpu.memory_space<vmem>>) attributes {dimension_semantics = [#tpu.dimension_semantics<arbitrary>], iteration_bounds = array<i64: 8>, scalar_prefetch = 0 : i64, scratch_operands = 0 : i64, tpu.core_type = #tpu.core_type<tc>, window_params = [{transform_indices = @transform_0, window_bounds = array<i64: 512, 64>}, {pipeline_mode = #tpu.pipeline_mode<synchronous>, transform_indices = @transform_1, window_bounds = array<i64: 64, 256>}, {pipeline_mode = #tpu.pipeline_mode<synchronous>, transform_indices = @transform_2, window_bounds = array<i64: 1, 256>}, {pipeline_mode = #tpu.pipeline_mode<synchronous>, transform_indices = @transform_3, window_bounds = array<i64: 256, 50>}, {pipeline_mode = #tpu.pipeline_mode<synchronous>, transform_indices = @transform_4, window_bounds = array<i64: 1, 50>}, {transform_indices = @transform_5, window_bounds = array<i64: 512, 50>}]} {
    %get3A = arith.constant 0 : index
    %get3A_0 = arith.constant 0 : index
    %get3A_1 = vector.load %arg1[%get3A, %get3A_0] : memref<512x64xf32, #tpu.memory_space<vmem>>, vector<512x64xf32>
    %get3A_2 = arith.constant 0 : index
    %get3A_3 = arith.constant 0 : index
    %get3A_4 = vector.load %arg2[%get3A_2, %get3A_3] : memref<64x256xf32, #tpu.memory_space<vmem>>, vector<64x256xf32>
    %dot_general3A = arith.constant dense<0.000000e+00> : vector<512x256xf32>
    %dot_general3A_5 = tpu.matmul %get3A_1, %get3A_4, %dot_general3A {dimension_numbers = #tpu.dot_dimension_numbers<[1], [0], [0], [1], [0, 0, 1, 1], [], []>, transpose_lhs_hint = false} : vector<512x64xf32>, vector<64x256xf32>, vector<512x256xf32> -> vector<512x256xf32>
    %get3A_6 = arith.constant 0 : index
    %get3A_7 = arith.constant 0 : index
    %get3A_8 = vector.load %arg3[%get3A_6, %get3A_7] : memref<1x256xf32, #tpu.memory_space<vmem>>, vector<1x256xf32>
    %add3A = vector.broadcast %get3A_8 : vector<1x256xf32> to vector<512x256xf32>
    %add3A_9 = arith.addf %dot_general3A_5, %add3A : vector<512x256xf32>
    %max3A = arith.constant 0.000000e+00 : f32
    %max3A_10 = vector.broadcast %max3A : f32 to vector<512x256xf32>
    %max3A_11 = arith.maximumf %add3A_9, %max3A_10 : vector<512x256xf32>
    %get3A_12 = arith.constant 0 : index
    %get3A_13 = arith.constant 0 : index
    %get3A_14 = vector.load %arg4[%get3A_12, %get3A_13] : memref<256x50xf32, #tpu.memory_space<vmem>>, vector<256x50xf32>
    %dot_general3A_15 = arith.constant dense<0.000000e+00> : vector<512x50xf32>
    %dot_general3A_16 = tpu.matmul %max3A_11, %get3A_14, %dot_general3A_15 {dimension_numbers = #tpu.dot_dimension_numbers<[1], [0], [0], [1], [0, 0, 1, 1], [], []>, transpose_lhs_hint = false} : vector<512x256xf32>, vector<256x50xf32>, vector<512x50xf32> -> vector<512x50xf32>
    %get3A_17 = arith.constant 0 : index
    %get3A_18 = arith.constant 0 : index
    %get3A_19 = vector.load %arg5[%get3A_17, %get3A_18] : memref<1x50xf32, #tpu.memory_space<vmem>>, vector<1x50xf32>
    %add3A_20 = vector.broadcast %get3A_19 : vector<1x50xf32> to vector<512x50xf32>
    %add3A_21 = arith.addf %dot_general3A_16, %add3A_20 : vector<512x50xf32>
    %swap3A = arith.constant 0 : index
    %swap3A_22 = arith.constant 0 : index
    %swap3A_23 = vector.load %arg6[%swap3A, %swap3A_22] : memref<512x50xf32, #tpu.memory_space<vmem>>, vector<512x50xf32>
    tpu.vector_store %arg6[%swap3A, %swap3A_22], %add3A_21 {strides = array<i32>} : memref<512x50xf32, #tpu.memory_space<vmem>>, vector<512x50xf32>,
    return
  }
  func.func @transform_0(%arg0: i32) -> (i32, i32) {
    %c0_i32 = arith.constant 0 : i32
    %c0_i32_0 = arith.constant 0 : i32
    return %arg0, %c0_i32 : i32, i32
  }
  func.func @transform_1(%arg0: i32) -> (i32, i32) {
    %c0_i32 = arith.constant 0 : i32
    %c0_i32_0 = arith.constant 0 : i32
    %c0_i32_1 = arith.constant 0 : i32
    return %c0_i32, %c0_i32_0 : i32, i32
  }
  func.func @transform_2(%arg0: i32) -> (i32, i32) {
    %c0_i32 = arith.constant 0 : i32
    %c0_i32_0 = arith.constant 0 : i32
    %c0_i32_1 = arith.constant 0 : i32
    return %c0_i32, %c0_i32_0 : i32, i32
  }
  func.func @transform_3(%arg0: i32) -> (i32, i32) {
    %c0_i32 = arith.constant 0 : i32
    %c0_i32_0 = arith.constant 0 : i32
    %c0_i32_1 = arith.constant 0 : i32
    return %c0_i32, %c0_i32_0 : i32, i32
  }
  func.func @transform_4(%arg0: i32) -> (i32, i32) {
    %c0_i32 = arith.constant 0 : i32
    %c0_i32_0 = arith.constant 0 : i32
    %c0_i32_1 = arith.constant 0 : i32
    return %c0_i32, %c0_i32_0 : i32, i32
  }
  func.func @transform_5(%arg0: i32) -> (i32, i32) {
    %c0_i32 = arith.constant 0 : i32
    %c0_i32_0 = arith.constant 0 : i32
    return %arg0, %c0_i32 : i32, i32
  }
}

</mosaic_0001>

<sc_bundles>
// kernel: kernel.4.cloned.1.call-start
scs
__scs_entry_jumppad:
0x0: {  	(pc) =	sbr.rel $0x88, $3  }
0x1: {  	(tag) =	ssettag $0x0;
	lr =	simm.s32 $0x1  }
0x2: {  	[smem:$0x3F9B] =	sst lr;
	_ =	strace $0xD0000000  }
0x3: {  	_ = 	snop  }
0x4: {  	_ = 	snop  }
0x5: {  	_ = 	snop  }
0x6: {  	_ = 	snop  }
0x7: {  	_ = 	snop  }
__scs_overlays_trampoline_lowered:
0x8: {  	[smem:$0x3FAA] =	sst s0  }
0x9: {  	[smem:$0x3FAB] =	sst s1  }
0xa: {  	[smem:$0x3FAC] =	sst s2  }
0xb: {  	[smem:$0x3FAD] =	sst s3  }
0xc: {  	[smem:$0x3FAE] =	sst s4  }
0xd: {  	[smem:$0x3FAF] =	sst s5  }
0xe: {  	[smem:$0x3FB0] =	sst s6  }
0xf: {  	[smem:$0x3FB1] =	sst s7  }
0x10: {  	[smem:$0x3FB2] =	sst s8  }
0x11: {  	[smem:$0x3FB3] =	sst s9;
	s0 =	simm.s32 @!p0 $0x0  }
0x12: {  	s1 =	sld [smem:$0x3F99];
	s0 =	simm.s32 @p0 $0x1  }
0x13: {  	[smem:$0x3FB4] =	sst s0;
	s0 =	simm.s32 @!p1 $0x0  }
0x14: {  	s2 =	sld [smem:$0x3F98];
	s0 =	simm.s32 @p1 $0x1  }
0x15: {  	[smem:$0x3FB5] =	sst s0;
	s0 =	simm.s32 @!p2 $0x0  }
0x16: {  	s3 =	sld [smem:$0x3FDB];
	s0 =	simm.s32 @p2 $0x1  }
0x17: {  	s4 =	simm.s32 $0x1BF5;
	[smem:$0x3FB7] =	sst s0  }
0x18: {  	s0 =	sld [smem:$0x3F9A];
	_ =	swait.ge [sflag:s4], $0x0  }
0x19: {  	s7 =	sld [smem:$0x3F9B]  }
0x1a: {  	s8 =	sadd.s32 $0xFFFFE003, lr  }
0x1b: {  	s9 =	sadd.s32 $0xFFFFFEF7, lr;
	s5 =	simm.s32 $0xFFFFFFFF;
	p2 =	slt.u32 s8, $0xFFFFF086  }
0x1c: {  	p1 =	slt.u32 s9, $0xF7A;
	s5 =	simm.s32 @!p2 $0x0  }
0x1d: {  	s5 =	simm.s32 @p1 $0x1;
	p0 =	seq.s32 s7, s2  }
0x1e: {  	s7 =	smul.u32 @!p0 $0xF7A, s2;
	p2 =	seq.s32 @!p0 s5, $0x0  }
0x1f: {  	s9 =	smul.u32 $0xF7A, s1;
	s8 =	simm.s32 @!p0 $0x1BF5;
	p2 =	por !p2, p0  }
0x20: {  	[sflag:s8] =	ssyncset.s32 @!p0 $0xFFFFF086;
	s6 =	sadd.s32 @!p0 s3, s7;
	s7 =	simm.s32 @!p0 $0x108  }
0x21: {  	s3 =	sadd.s32 s3, s9;
	s6 =	sadd.s32 @!p0 $0x88, s6;
	s7 =	simm.s32 @p2 $0x1082  }
0x22: {  	[simem:s7], [sflag:s8] =	dma.local @!p0 [hbm:s6], $0xF7A  }
0x23: {  	s9 =	sor.u32 $0xD0000000, s2;
	s6 =	simm.s32 $0x108;
	_ =	swait.ge @!p0 [sflag:s8], $0x0  }
0x24: {  	s3 =	sadd.s32 $0x88, s3;
	s6 =	simm.s32 @!p1 $0x1082;
	[sflag:s4] =	ssyncset.s32 $0xFFFFF086  }
0x25: {  	[simem:s6], [sflag:s4] =	dma.local [hbm:s3], $0xF7A  }
0x26: {  	[smem:$0x3F9B] =	sst s1;
	(tag) =	ssettag s2;
	_ =	strace s9  }
0x27: {  	s1 =	sld [smem:$0x3FAB]  }
0x28: {  	s2 =	sld [smem:$0x3FAC]  }
0x29: {  	s4 =	sld [smem:$0x3FAE]  }
0x2a: {  	p0 =	seq.s32 s5, $0x0;
	s5 =	sld [smem:$0x3FAF]  }
0x2b: {  	s6 =	sld [smem:$0x3FB0]  }
0x2c: {  	s7 =	sld [smem:$0x3FB1]  }
0x2d: {  	s3 =	simm.s32 $0x108;
	s8 =	sld [smem:$0x3FB2]  }
0x2e: {  	s3 =	simm.s32 @!p0 $0x1082;
	s9 =	sld [smem:$0x3FB3]  }
0x2f: {  	lr =	sadd.s32 s0, s3;
	s0 =	sld [smem:$0x3FAA]  }
0x30: {  	s3 =	sld [smem:$0x3FAD]  }
0x31: {  	[smem:$0x3FB6] =	sst s10  }
0x32: {  	s10 =	sld [smem:$0x3FB4];
	_ =	sdelay $0x3  }
0x33: {  	p0 =	seq.s32 s10, $0x1;
	s10 =	sld [smem:$0x3FB6];
	_ =	sdelay $0x3  }
0x34: {  	[smem:$0x3FB6] =	sst s10  }
0x35: {  	s10 =	sld [smem:$0x3FB5];
	_ =	sdelay $0x3  }
0x36: {  	p1 =	seq.s32 s10, $0x1;
	s10 =	sld [smem:$0x3FB6];
	_ =	sdelay $0x3  }
0x37: {  	[smem:$0x3FB6] =	sst s10  }
0x38: {  	s10 =	sld [smem:$0x3FB7]  }
0x39: {  	_ = 	snop;
	(pc) =	sbr.ind lr, $3  }
0x3a: {  	_ = 	snop  }
0x3b: {  	_ = 	snop  }
0x3c: {  	p2 =	seq.s32 s10, $0x1;
	s10 =	sld [smem:$0x3FB6]  }
0x3d: {  	_ =	shalt  }
0x3e: {  	_ =	shalt  }
0x3f: {  	_ =	shalt  }
0x40: {  	_ =	shalt  }
0x41: {  	_ =	shalt  }
0x42: {  	_ =	shalt  }
0x43: {  	_ =	shalt  }
0x44: {  	_ =	shalt  }
0x45: {  	_ =	shalt  }
0x46: {  	_ =	shalt  }
0x47: {  	_ =	shalt  }
0x48: {  	_ =	shalt  }
0x49: {  	_ =	shalt  }
0x4a: {  	_ =	shalt  }
0x4b: {  	_ =	shalt  }
0x4c: {  	_ =	shalt  }
0x4d: {  	_ =	shalt  }
0x4e: {  	_ =	shalt  }
0x4f: {  	_ =	shalt  }
0x50: {  	_ =	shalt  }
0x51: {  	_ =	shalt  }
0x52: {  	_ =	shalt  }
0x53: {  	_ =	shalt  }
0x54: {  	_ =	shalt  }
0x55: {  	_ =	shalt  }
0x56: {  	_ =	shalt  }
0x57: {  	_ =	shalt  }
0x58: {  	_ =	shalt  }
0x59: {  	_ =	shalt  }
0x5a: {  	_ =	shalt  }
0x5b: {  	_ =	shalt  }
0x5c: {  	_ =	shalt  }
0x5d: {  	_ =	shalt  }
0x5e: {  	_ =	shalt  }
0x5f: {  	_ =	shalt  }
0x60: {  	_ =	shalt  }
0x61: {  	_ =	shalt  }
0x62: {  	_ =	shalt  }
0x63: {  	_ =	shalt  }
0x64: {  	_ =	shalt  }
0x65: {  	_ =	shalt  }
0x66: {  	_ =	shalt  }
0x67: {  	_ =	shalt  }
0x68: {  	_ =	shalt  }
0x69: {  	_ =	shalt  }
0x6a: {  	_ =	shalt  }
0x6b: {  	_ =	shalt  }
0x6c: {  	_ =	shalt  }
0x6d: {  	_ =	shalt  }
0x6e: {  	_ =	shalt  }
0x6f: {  	_ =	shalt  }
0x70: {  	_ =	shalt  }
0x71: {  	_ =	shalt  }
0x72: {  	_ =	shalt  }
0x73: {  	_ =	shalt  }
0x74: {  	_ =	shalt  }
0x75: {  	_ =	shalt  }
0x76: {  	_ =	shalt  }
0x77: {  	_ =	shalt  }
0x78: {  	_ =	shalt  }
0x79: {  	_ =	shalt  }
0x7a: {  	_ =	shalt  }
0x7b: {  	_ =	shalt  }
0x7c: {  	_ =	shalt  }
0x7d: {  	_ =	shalt  }
0x7e: {  	_ =	shalt  }
0x7f: {  	_ =	shalt  }
0x80: {  	_ =	shalt  }
0x81: {  	_ =	shalt  }
0x82: {  	_ =	shalt  }
0x83: {  	_ =	shalt  }
0x84: {  	_ =	shalt  }
0x85: {  	_ =	shalt  }
0x86: {  	_ =	shalt  }
0x87: {  	_ =	shalt  }
.Lfunc_end0:
.L_simem_size_0:
called_computation_lowered:
.L_overlay_start_0:
0x88: {  	s2 =	sld [smem:$0x3FD9]  }
0x89: {  	s3 =	sld [smem:$0x3FFE];
	_ =	sdelay $0x1  }
0x8a: {  	s1 =	srdreg.scid  }
0x8b: {  	s0 =	sand.u32 $0x1, s1  }
0x8c: {  	s16 =	sshll.u32 s0, $0xA;
	s2 =	sadd.s32 s3, s2  }
0x8d: {  	s2 =	sadd.s32 s2, s16  }
0x8e: {  	[smem:$0x3FC2] =	sst s2  }
0x8f: {  	_ = 	snop  }
0x90: {  	(tm) =	ssettm $0x1  }
0x91: {  	s17 =	sld [smem:$0x3FFB];
	_ =	sdelay $0x3  }
0x92: {  	_ =	strace s17  }
0x93: {  	s2 =	sld [smem:$0x3FFC];
	_ =	sdelay $0x3  }
0x94: {  	_ =	strace s2  }
0x95: {  	s2 =	sld [smem:$0x3FFD];
	_ =	sdelay $0x3  }
0x96: {  	_ =	strace s2  }
0x97: {  	_ =	strace $0x8FFFFFFF  }
0x98: {  	s18 =	sld [smem:$0x3FDB];
	_ =	sdelay $0x1  }
0x99: {  	s19 =	simm.s32 $_scs_section_size  }
0x9a: {  	s4 =	simm.s32 $_size__tile_overlayer_lowered;
	s5 =	simm.s32 $_tile_overlayer_lowered  }
0x9b: {  	s22 =	simm.s32 $0x1BFF;
	s21 =	sshll.u32 s5, $0x1;
	s2 =	sadd.s32 s19, s18  }
0x9c: {  	s6 =	simm.s32 $0x0;
	s20 =	sshll.u32 s4, $0x1;
	s4 =	sadd.s32 s21, s2  }
0x9d: {  	[timem:s6], [sflag:s22] =	dma.local [hbm:s4], s20  }
0x9e: {  	_ =	swait.ge [sflag:s22], s20  }
0x9f: {  	s3 =	ssub.s32 $0x0, s20;
	[sflag:s22] =	ssyncset.done $0x0  }
0xa0: {  	[sflag:s22] =	ssyncadd.s32 s3;
	_ =	sdelay $0x1  }
0xa1: {  	s23 =	simm.s32 $0x1B8B  }
0xa2: {  	_ =	swait.ge [sflag:s23], $0x1  }
0xa3: {  	[sflag:s23] =	ssyncset.done $0x0  }
0xa4: {  	s25 =	simm.s32 $0x1B8E;
	s24 =	sld [smem:$0x3FFE];
	[sflag:s23] =	ssyncadd.s32 $0xFFFFFFFF  }
0xa5: {  	s26 =	simm.s32 $execute0_lowered;
	[smem:$0x3FD2] =	sst s25  }
0xa6: {  	s4 =	sshll.u32 s26, $0x1;
	_ =	strace $0x80000046;
	[dreg:$0x1] =	wrdreg $0xFFFFFFFF  }
0xa7: {  	s28 =	simm.s32 $_size_execute0_lowered;
	s2 =	sadd.s32 s2, s4;
	[dreg:$0x0] =	wrdreg $0x0  }
0xa8: {  	s4 =	sshll.u32 s28, $0x1;
	[dreg:$0x2] =	wrdreg s2  }
0xa9: {  	[dreg:$0x3] =	wrdreg s4  }
0xaa: {  	[dreg:$0x4] =	wrdreg $0xC0  }
0xab: {  	_ =	task [dreg:s6], $0x5FFFF  }
0xac: {  	[dreg:$0x1] =	wrdreg $0xFFFFFFFF  }
0xad: {  	[dreg:$0x0] =	wrdreg $0x60  }
0xae: {  	[dreg:$0x2] =	wrdreg s24  }
0xaf: {  	[dreg:$0x3] =	wrdreg $0x9  }
0xb0: {  	_ =	task.clear_ibuf [dreg:s6], $0x4FFFF;
	_ =	strace $0x90000046  }
0xb1: {  	s29 =	simm.s32 $0x9;
	_ =	strace $0x80000048  }
0xb2: {  	_ =	swait.ge [sflag:s29], $0x1  }
0xb3: {  	[sflag:s29] =	ssyncadd.s32 $0xFFFFFFFF  }
0xb4: {  	_ =	strace $0x90000048  }
0xb5: {  	_ =	sfence  }
0xb6: {  	s30 =	sld [smem:$0x0];
	_ =	sdelay $0x2  }
0xb7: {  	s31 =	sshll.u32 s1, $0xD;
	s1 =	sshrl.u32 s1, $0x2  }
0xb8: {  	s3 =	sand.u32 $0x4000, s31;
	s1 =	sadd.s32 s1, s30  }
0xb9: {  	s0 =	sor.u32 s3, s0;
	s1 =	sshll.u32 s1, $0x11  }
0xba: {  	s0 =	sor.u32 s1, s0  }
0xbb: {  	s0 =	sadd.s32 $0x8F2B, s0  }
0xbc: {  	[sflag:s0] =	ssyncadd.remote.s32 $0x1  }
0xbd: {  	_ =	sfence.sel $0xFFFF  }
0xbe: {  	[dreg:$0x0] =	wrdreg $0xFFFFFFFF;
	(pc) =	sbr.abs _section_cstart, $3  }
0xbf: {  	[dreg:$0x1] =	wrdreg $0xFFFFFFFF  }
0xc0: {  	_ =	task.clear_ibuf [dreg:s6], $0x2FFFF;
	_ =	strace $0x9FFFFFFF  }
0xc1: {  	(tm) =	ssettm $0x7FFFFFFF  }
tec
execute0_lowered:
.L_overlay_start_1:
0x0: {  	(tag) =	ssettag $0x1  }
0x1: {  	s1 =	srdreg.scid;
	s0 =	stileid.u32  }
0x2: {  	s4 =	rddreg [dreg:$0x0];
	s2 =	simm.s32 $0x0;
	s8 =	simm.s32 $0x68  }
0x3: {  	s9 =	simm.s32 $0x6400;
	s10 =	simm.s32 $0x60;
	s11 =	simm.s32 $0x7E00  }
0x4: {  	s12 =	simm.s32 $0x1;
	s13 =	simm.s32 $0x9600;
	s14 =	simm.s32 $0x0  }
0x5: {  	s3 =	sand.u32 $0x1, s1;
	s5 =	sshll.u32 s0, $0x1;
	[smem:$0x7FF] =	sst s2  }
0x6: {  	s1 =	rddreg [dreg:$0x1];
	s5 =	sor.u32 s3, s5;
	_ =	strace $0x80000047  }
0x7: {  	s7 =	ssub.s32 $0x2, s3;
	s6 =	smul.u32 $0xC80, s5;
	s5 =	sshll.u32 s5, $0xA  }
0x8: {  	s3 =	sadd.s32 $0xF43200, s4;
	s31 =	sshrl.u32 s7, $0x1;
	s5 =	sadd.s32 s5, s4  }
0x9: {  	s7 =	ssub.s32 s7, s31;
	s6 =	sadd.s32 s6, s4;
	s5 =	sadd.s32 $0x19E00, s5  }
0xa: {  	s4 =	sadd.s32 $0xE00, s6;
	s6 =	smax.u32 s7, $0x1;
	s7 =	simm.s32 $0x2  }
.LBB2_1:
0xb: {  	[tilespmem:s2], [sflag:$0x2] =	stream.linear.gather [hbm4b:s4+s2], $0x6400, $0x38;
	[tilespmem:$0xB600] =	vst v63  }
0xc: {  	_ =	swait.ge [sflag:s7], $0x6400  }
0xd: {  	[sflag:s7] =	ssyncset.done $0x0  }
0xe: {  	s15 =	simm.s32 $0x0;
	[sflag:s7] =	ssyncadd.s32 $0xFFFF9C00  }
.LBB2_2:
0xf: {  	s16 =	smul.u32 $0x320, s15;
	_ =	sdelay $0x1  }
0x10: {  	s16 =	sshra.s32 s16, $0x2  }
0x11: {  	[tilespmem:s9], [sflag:$0x1] =	stream.indirect.gather [hbm4b:s3+s8], $0x40, s16, s8, $0xb8;
	[tilespmem:$0xB600] =	vst v63  }
0x12: {  	s16 =	sadd.s32 $0x68, s16  }
0x13: {  	[tilespmem:s11], [sflag:$0x1] =	stream.indirect.gather [hbm4b:s3+s10], $0x40, s16, s10, $0xb8;
	[tilespmem:$0xB600] =	vst v63  }
0x14: {  	_ =	swait.ge [sflag:s12], $0x1A00  }
0x15: {  	[sflag:s12] =	ssyncset.done $0x0  }
0x16: {  	[sflag:s12] =	ssyncadd.s32 $0xFFFFE600  }
0x17: {  	_ =	swait.ge [sflag:s12], $0x1800  }
0x18: {  	[sflag:s12] =	ssyncset.done $0x0  }
0x19: {  	s17 =	simm.s32 $0x0;
	[sflag:s12] =	ssyncadd.s32 $0xFFFFE800  }
0x1a: {  	v1 =	vld [tilespmem:s17+$0x6430]  }
0x1b: {  	v2 =	vld [tilespmem:s17+$0x6400]  }
0x1c: {  	v0 =	vimm.f32 $0.0e+00;
	v3 =	vld [tilespmem:s17+$0x6410]  }
0x1d: {  	v5 =	vimm.f32 $0.0e+00;
	v6 =	vimm.f32 $0.0e+00;
	v7 =	vimm.f32 $0.0e+00;
	s16 =	simm.s32 $0x100;
	v4 =	vld [tilespmem:s17+$0x6420]  }
.LBB2_3:
0x1e: {  	p0 =	sne.s32 s16, $0xC700  }
.Ltmp0:
0x1f: {  	s17 =	sshra.s32 s16, $0x2;
	s16 =	sadd.s32 $0x100, s16;
	v0 =	vadd.f32 v1, v0;
	(pc) =	sbr.rel @p0 .LBB2_3-.Ltmp0, $4  }
0x20: {  	v1 =	vld [tilespmem:s17+$0x6430];
	v5 =	vadd.f32 v2, v5  }
0x21: {  	v2 =	vld [tilespmem:s17+$0x6400];
	v6 =	vadd.f32 v3, v6  }
0x22: {  	v3 =	vld [tilespmem:s17+$0x6410];
	v7 =	vadd.f32 v4, v7  }
0x23: {  	v4 =	vld [tilespmem:s17+$0x6420]  }
0x24: {  	_ = 	snop  }
0x25: {  	v0 =	vadd.f32 v1, v0  }
0x26: {  	s16 =	sshll.u32 s15, $0x6;
	s15 =	sadd.s32 $0x1, s15;
	v2 =	vadd.f32 v2, v5  }
0x27: {  	p0 =	sne.s32 s15, $0x80;
	v3 =	vadd.f32 v3, v6;
	v0 =	vmul.f32 $4.999999890e-03, v0  }
.Ltmp1:
0x28: {  	s16 =	sand.u32 $0x3FFFFFC0, s16;
	v4 =	vadd.f32 v4, v7;
	v2 =	vmul.f32 $4.999999890e-03, v2;
	(pc) =	sbr.rel @p0 .LBB2_2-.Ltmp1, $4  }
0x29: {  	v62 =	vmul.f32 $4.999999890e-03, v3;
	[tilespmem:s16+$0x9630] =	vst v0  }
0x2a: {  	[tilespmem:s16+$0x9600] =	vst v2;
	v63 =	vmul.f32 $4.999999890e-03, v4  }
0x2b: {  	[tilespmem:s16+$0x9610] =	vst v62  }
0x2c: {  	[tilespmem:s16+$0x9620] =	vst v63  }
0x2d: {  	s14 =	sadd.s32 $0x1, s14  }
0x2e: {  	p0 =	sne.s32 s14, s6  }
.Ltmp2:
0x2f: {  	_ = 	snop;
	(pc) =	sbr.rel @p0 .LBB2_1-.Ltmp2, $4  }
0x30: {  	[hbm4b:s5+s2] =	stream.linear.scatter [tilespmem:s13], [sflag:$0x2], $0x2000, $0x38;
	[tilespmem:$0xB600] =	vst v63  }
0x31: {  	_ =	swait.ge [sflag:s7], $0x2000  }
0x32: {  	[sflag:s7] =	ssyncset.done $0x0  }
0x33: {  	[sflag:s7] =	ssyncadd.s32 $0xFFFFE000  }
0x34: {  	_ =	sfence.sel $0x180000  }
0x35: {  	[bflag:$0x0] =	sbarrier.arrive $0xFFFF  }
0x36: {  	p0 =	sne.s32 s0, $0x0;
	_ =	strace $0x90000047  }
0x37: {  	s0 =	sadd.s32 @!p0 $0x100000, s1;
	[bflag:$0x2] =	sbarrier.arrive $0xFFFF  }
0x38: {  	[sflag:s0] =	ssyncadd.tile.s32 @!p0 $0x1;
	_ =	shalt  }
.Lfunc_end2:
_tile_overlayer_lowered:
.L_overlay_start_2:
0x39: {  	(tag) =	ssettag $0x2  }
0x3a: {  	s0 =	rddreg [dreg:$0x0];
	s2 =	stileid.u32  }
0x3b: {  	s1 =	rddreg [dreg:$0x1];
	p0 =	sne.s32 s2, $0x0  }
0x3c: {  	s3 =	rddreg [dreg:$0x2];
	[bflag:$0x3] =	sbarrier.arrive $0xFFFF;
	s2 =	simm.s32 @!p0 $0x1C02  }
0x3d: {  	[timem:s3], [sflag:s2] =	dma.local @!p0 [hbm:s0], s1  }
0x3e: {  	s0 =	simm.s32 @!p0 $0x2  }
0x3f: {  	_ =	swait.ge @!p0 [sflag:s0], s1  }
0x40: {  	s1 =	ssub.s32 @!p0 $0x0, s1;
	[sflag:s0] =	ssyncset.done @!p0 $0x0  }
0x41: {  	[sflag:s0] =	ssyncadd.s32 @!p0 s1  }
0x42: {  	[bflag:$0x3] =	sbarrier.arrive $0xFFFF  }
0x43: {  	_ =	shalt  }

</sc_bundles>
